<compile_context>
chip_gen: v7x
topology: tpu7x:2x2x1
jax: 0.10.2.dev20260603
libtpu: 0.0.44.dev20260713+nightly
codegen_flags: <defaults>
</compile_context>

<pallas_src>
import functools

import jax
import jax.numpy as jnp
from jax import lax
from jax.experimental import pallas as pl
from jax.experimental.pallas import tpu as pltpu
from jax.experimental.pallas import tpu_sc as plsc

B, S, D = 4, 4096, 4096
L = 16


def _index_call(mask):
    mesh = plsc.VectorSubcoreMesh(core_axis_name="c", subcore_axis_name="s",
                                  num_cores=2, num_subcores=16)

    @functools.partial(
        pl.kernel,
        out_type=jax.ShapeDtypeStruct((L,), jnp.int32),
        mesh=mesh,
        scratch_types=[
            pltpu.VMEM((B, S), jnp.int32),
            pltpu.VMEM((L,), jnp.int32),
        ],
    )
    def body(mask_hbm, out_hbm, mask_v, idx_v):
        wid = lax.axis_index("s") * 2 + lax.axis_index("c")

        @pl.when(wid == 0)
        def _():
            pltpu.sync_copy(mask_hbm, mask_v)
            lanes = lax.iota(jnp.int32, L)
            out = jnp.zeros((L,), jnp.int32)
            lp = None
            totals = []
            for b in range(B):
                def step(i, acc, b=b):
                    return acc + mask_v[b, pl.ds(pl.multiple_of(i * L, L), L)]

                acc = lax.fori_loop(0, S // L, step, jnp.zeros((L,), jnp.int32))
                total = acc[0]
                for i in range(1, L):
                    total = total + acc[i]
                totals.append(total)
                last = mask_v[b, pl.ds(S - L, L)][L - 1]
                lp = last if lp is None else lp + last
            for b in range(B):
                idx = jnp.where(lp == B, S - 1, (totals[b] - 1) & (S - 1))
                out = jnp.where(lanes == b, idx, out)
            idx_v[...] = out
            pltpu.sync_copy(idx_v, out_hbm)

    return body(mask)


def _gather_body(idx_ref, hid_ref, out_ref):
    b = pl.program_id(0)
    r = idx_ref[b] % 8
    out_ref[...] = hid_ref[0, pl.ds(r, 1), :].reshape(1, 1, D)


def _gather_call(hid, idx16):
    grid_spec = pltpu.PrefetchScalarGridSpec(
        num_scalar_prefetch=1,
        grid=(B,),
        in_specs=[pl.BlockSpec((1, 8, D),
                               lambda b, idx_ref: (b, idx_ref[b] // 8, 0))],
        out_specs=pl.BlockSpec((1, 1, D), lambda b, idx_ref: (b, 0, 0)),
    )
    return pl.pallas_call(
        _gather_body,
        grid_spec=grid_spec,
        out_shape=jax.ShapeDtypeStruct((B, 1, D), jnp.float32),
    )(idx16, hid)


def kernel(last_hidden_state, attention_mask):
    idx16 = _index_call(attention_mask.astype(jnp.int32))
    return _gather_call(last_hidden_state, idx16).reshape(B, D)

# --- scband reference (transcript-rebuilt; emitter-appended) ---
"""Pipeline reference for scband-last-token-pooling-12859132084814 (READ-ONLY COPY).

The authoritative reference and input builder live on the scoring server;
editing this copy changes nothing except your own understanding.
"""

import jax, jax.numpy as jnp
import numpy as np

B, S, D = 4, 4096, 4096

def setup_inputs(seed: int = 0) -> dict:
    key = jax.random.key(seed)
    k1, k2 = jax.random.split(key)
    last_hidden_state = jax.random.normal(k1, (B, S, D), dtype=jnp.float32)
    attention_mask = jax.random.randint(k2, (B, S), 0, 2, dtype=jnp.int64)
    return {"last_hidden_state": last_hidden_state, "attention_mask": attention_mask}

def reference(last_hidden_state, attention_mask):
    # left_padding check: all sequences have mask==1 at last position
    left_padding = attention_mask[:, -1].sum() == attention_mask.shape[0]
    emb_left = last_hidden_state[:, -1]
    sequence_lengths = attention_mask.sum(axis=1) - 1
    batch_size = last_hidden_state.shape[0]
    emb_gather = last_hidden_state[jnp.arange(batch_size), sequence_lengths]
    emb = jnp.where(left_padding, emb_left, emb_gather)
    return emb

if __name__ == "__main__":
    import jax
    _d = setup_inputs()
    print(jax.jit(kernel)(*tuple(_d.values())))

</pallas_src>

<mosaic_0001>
#map = affine_map<(d0, d1) -> (0, 0)>
#map1 = affine_map<(d0, d1) -> (0)>
module attributes {stable_mosaic.version = 14 : i64} {
  func.func @body(%arg0: i32, %arg1: i32, %arg2: memref<4x4096xi32, #tpu.memory_space<hbm>>, %arg3: memref<16xi32, #tpu.memory_space<hbm>>, %arg4: memref<4x4096xi32, #tpu.memory_space<vmem>>, %arg5: memref<16xi32, #tpu.memory_space<vmem>>) attributes {dimension_semantics = [#tpu.dimension_semantics<core_parallel>, #tpu.dimension_semantics<subcore_parallel>], iteration_bounds = array<i64: 2, 16>, scalar_prefetch = 0 : i64, scratch_operands = 2 : i64, tpu.core_type = #tpu.core_type<sc_vector_subcore>, window_params = [{transform_indices = #map}, {transform_indices = #map1}]} {
    %mul3A = arith.constant 2 : i32
    %mul3A_0 = arith.muli %arg1, %mul3A : i32
    %add3A = arith.addi %mul3A_0, %arg0 : i32
    %eq3A = arith.constant 0 : i32
    %eq3A_1 = arith.cmpi eq, %add3A, %eq3A : i32
    %convert_element_type3A = arith.extui %eq3A_1 : i1 to i32
    %cond3A = arith.constant 0 : i32
    %cond3A_2 = arith.cmpi ne, %convert_element_type3A, %cond3A : i32
    scf.if %cond3A_2 {
      "tpu.region"() ({
        %run_scoped3A = tpu.sem_alloc : memref<!tpu.dma_semaphore, #tpu.memory_space<semaphore_mem>>
        tpu.enqueue_dma source(%arg2 : memref<4x4096xi32, #tpu.memory_space<hbm>>) target(%arg4 : memref<4x4096xi32, #tpu.memory_space<vmem>>) target_semaphore(%run_scoped3A : memref<!tpu.dma_semaphore, #tpu.memory_space<semaphore_mem>>)
        tpu.wait_dma2 semaphore(%run_scoped3A : memref<!tpu.dma_semaphore, #tpu.memory_space<semaphore_mem>>) src(%arg2 : memref<4x4096xi32, #tpu.memory_space<hbm>>) dst(%arg4 : memref<4x4096xi32, #tpu.memory_space<vmem>>)
        tpu.yield
      }) : () -> ()
      %iota3A = tpu.iota {dimensions = array<i32: 0>} : vector<16xi32>
      %broadcast_in_dim3A = arith.constant 0 : i32
      %broadcast_in_dim3A_3 = vector.broadcast %broadcast_in_dim3A : i32 to vector<16xi32>
      %broadcast_in_dim3A_4 = arith.constant 0 : i32
      %broadcast_in_dim3A_5 = vector.broadcast %broadcast_in_dim3A_4 : i32 to vector<16xi32>
      %scan3A = arith.constant 0 : i32
      %scan3A_6 = arith.constant 256 : i32
      %scan3A_7 = arith.addi %scan3A, %scan3A_6 : i32
      %scan3A_8 = arith.constant 1 : i32
      %scan3A_9 = scf.for %scan3A_302 = %scan3A to %scan3A_7 step %scan3A_8 iter_args(%scan3A_303 = %broadcast_in_dim3A_5) -> (vector<16xi32>)  : i32 {
        %mul3A_304 = arith.constant 16 : i32
        %mul3A_305 = arith.muli %scan3A_302, %mul3A_304 : i32
        %multiple_of3A = tpu.assume_multiple %mul3A_305, 16 : i32
        %get3A_306 = arith.constant 0 : i32
        %get3A_307 = arith.index_cast %get3A_306 : i32 to index
        %get3A_308 = arith.index_cast %multiple_of3A : i32 to index
        %get3A_309 = tpu.vector_load %arg4[%get3A_307, %get3A_308] {strides = array<i32>} : memref<4x4096xi32, #tpu.memory_space<vmem>>, vector<1x16xi32>,
        %get3A_310 = vector.shape_cast %get3A_309 : vector<1x16xi32> to vector<16xi32>
        %add3A_311 = arith.addi %scan3A_303, %get3A_310 : vector<16xi32>
        scf.yield %add3A_311 : vector<16xi32>
      }
      %scan3A_10 = arith.constant 256 : i32
      %slice3A = vector.extract_strided_slice %scan3A_9 {offsets = [0], sizes = [1], strides = [1]} : vector<16xi32> to vector<1xi32>
      %squeeze3A = vector.extract %slice3A[0] : i32 from vector<1xi32>
      %slice3A_11 = vector.extract_strided_slice %scan3A_9 {offsets = [1], sizes = [1], strides = [1]} : vector<16xi32> to vector<1xi32>
      %squeeze3A_12 = vector.extract %slice3A_11[0] : i32 from vector<1xi32>
      %add3A_13 = arith.addi %squeeze3A, %squeeze3A_12 : i32
      %slice3A_14 = vector.extract_strided_slice %scan3A_9 {offsets = [2], sizes = [1], strides = [1]} : vector<16xi32> to vector<1xi32>
      %squeeze3A_15 = vector.extract %slice3A_14[0] : i32 from vector<1xi32>
      %add3A_16 = arith.addi %add3A_13, %squeeze3A_15 : i32
      %slice3A_17 = vector.extract_strided_slice %scan3A_9 {offsets = [3], sizes = [1], strides = [1]} : vector<16xi32> to vector<1xi32>
      %squeeze3A_18 = vector.extract %slice3A_17[0] : i32 from vector<1xi32>
      %add3A_19 = arith.addi %add3A_16, %squeeze3A_18 : i32
      %slice3A_20 = vector.extract_strided_slice %scan3A_9 {offsets = [4], sizes = [1], strides = [1]} : vector<16xi32> to vector<1xi32>
      %squeeze3A_21 = vector.extract %slice3A_20[0] : i32 from vector<1xi32>
      %add3A_22 = arith.addi %add3A_19, %squeeze3A_21 : i32
      %slice3A_23 = vector.extract_strided_slice %scan3A_9 {offsets = [5], sizes = [1], strides = [1]} : vector<16xi32> to vector<1xi32>
      %squeeze3A_24 = vector.extract %slice3A_23[0] : i32 from vector<1xi32>
      %add3A_25 = arith.addi %add3A_22, %squeeze3A_24 : i32
      %slice3A_26 = vector.extract_strided_slice %scan3A_9 {offsets = [6], sizes = [1], strides = [1]} : vector<16xi32> to vector<1xi32>
      %squeeze3A_27 = vector.extract %slice3A_26[0] : i32 from vector<1xi32>
      %add3A_28 = arith.addi %add3A_25, %squeeze3A_27 : i32
      %slice3A_29 = vector.extract_strided_slice %scan3A_9 {offsets = [7], sizes = [1], strides = [1]} : vector<16xi32> to vector<1xi32>
      %squeeze3A_30 = vector.extract %slice3A_29[0] : i32 from vector<1xi32>
      %add3A_31 = arith.addi %add3A_28, %squeeze3A_30 : i32
      %slice3A_32 = vector.extract_strided_slice %scan3A_9 {offsets = [8], sizes = [1], strides = [1]} : vector<16xi32> to vector<1xi32>
      %squeeze3A_33 = vector.extract %slice3A_32[0] : i32 from vector<1xi32>
      %add3A_34 = arith.addi %add3A_31, %squeeze3A_33 : i32
      %slice3A_35 = vector.extract_strided_slice %scan3A_9 {offsets = [9], sizes = [1], strides = [1]} : vector<16xi32> to vector<1xi32>
      %squeeze3A_36 = vector.extract %slice3A_35[0] : i32 from vector<1xi32>
      %add3A_37 = arith.addi %add3A_34, %squeeze3A_36 : i32
      %slice3A_38 = vector.extract_strided_slice %scan3A_9 {offsets = [10], sizes = [1], strides = [1]} : vector<16xi32> to vector<1xi32>
      %squeeze3A_39 = vector.extract %slice3A_38[0] : i32 from vector<1xi32>
      %add3A_40 = arith.addi %add3A_37, %squeeze3A_39 : i32
      %slice3A_41 = vector.extract_strided_slice %scan3A_9 {offsets = [11], sizes = [1], strides = [1]} : vector<16xi32> to vector<1xi32>
      %squeeze3A_42 = vector.extract %slice3A_41[0] : i32 from vector<1xi32>
      %add3A_43 = arith.addi %add3A_40, %squeeze3A_42 : i32
      %slice3A_44 = vector.extract_strided_slice %scan3A_9 {offsets = [12], sizes = [1], strides = [1]} : vector<16xi32> to vector<1xi32>
      %squeeze3A_45 = vector.extract %slice3A_44[0] : i32 from vector<1xi32>
      %add3A_46 = arith.addi %add3A_43, %squeeze3A_45 : i32
      %slice3A_47 = vector.extract_strided_slice %scan3A_9 {offsets = [13], sizes = [1], strides = [1]} : vector<16xi32> to vector<1xi32>
      %squeeze3A_48 = vector.extract %slice3A_47[0] : i32 from vector<1xi32>
      %add3A_49 = arith.addi %add3A_46, %squeeze3A_48 : i32
      %slice3A_50 = vector.extract_strided_slice %scan3A_9 {offsets = [14], sizes = [1], strides = [1]} : vector<16xi32> to vector<1xi32>
      %squeeze3A_51 = vector.extract %slice3A_50[0] : i32 from vector<1xi32>
      %add3A_52 = arith.addi %add3A_49, %squeeze3A_51 : i32
      %slice3A_53 = vector.extract_strided_slice %scan3A_9 {offsets = [15], sizes = [1], strides = [1]} : vector<16xi32> to vector<1xi32>
      %squeeze3A_54 = vector.extract %slice3A_53[0] : i32 from vector<1xi32>
      %add3A_55 = arith.addi %add3A_52, %squeeze3A_54 : i32
      %get3A = arith.constant 0 : i32
      %get3A_56 = arith.index_cast %get3A : i32 to index
      %get3A_57 = arith.constant 4080 : index
      %get3A_58 = tpu.vector_load %arg4[%get3A_56, %get3A_57] {strides = array<i32>} : memref<4x4096xi32, #tpu.memory_space<vmem>>, vector<1x16xi32>,
      %get3A_59 = vector.shape_cast %get3A_58 : vector<1x16xi32> to vector<16xi32>
      %slice3A_60 = vector.extract_strided_slice %get3A_59 {offsets = [15], sizes = [1], strides = [1]} : vector<16xi32> to vector<1xi32>
      %squeeze3A_61 = vector.extract %slice3A_60[0] : i32 from vector<1xi32>
      %broadcast_in_dim3A_62 = arith.constant 0 : i32
      %broadcast_in_dim3A_63 = vector.broadcast %broadcast_in_dim3A_62 : i32 to vector<16xi32>
      %scan3A_64 = arith.constant 0 : i32
      %scan3A_65 = arith.constant 256 : i32
      %scan3A_66 = arith.addi %scan3A_64, %scan3A_65 : i32
      %scan3A_67 = arith.constant 1 : i32
      %scan3A_68 = scf.for %scan3A_302 = %scan3A_64 to %scan3A_66 step %scan3A_67 iter_args(%scan3A_303 = %broadcast_in_dim3A_63) -> (vector<16xi32>)  : i32 {
        %mul3A_304 = arith.constant 16 : i32
        %mul3A_305 = arith.muli %scan3A_302, %mul3A_304 : i32
        %multiple_of3A = tpu.assume_multiple %mul3A_305, 16 : i32
        %get3A_306 = arith.constant 1 : i32
        %get3A_307 = arith.index_cast %get3A_306 : i32 to index
        %get3A_308 = arith.index_cast %multiple_of3A : i32 to index
        %get3A_309 = tpu.vector_load %arg4[%get3A_307, %get3A_308] {strides = array<i32>} : memref<4x4096xi32, #tpu.memory_space<vmem>>, vector<1x16xi32>,
        %get3A_310 = vector.shape_cast %get3A_309 : vector<1x16xi32> to vector<16xi32>
        %add3A_311 = arith.addi %scan3A_303, %get3A_310 : vector<16xi32>
        scf.yield %add3A_311 : vector<16xi32>
      }
      %scan3A_69 = arith.constant 256 : i32
      %slice3A_70 = vector.extract_strided_slice %scan3A_68 {offsets = [0], sizes = [1], strides = [1]} : vector<16xi32> to vector<1xi32>
      %squeeze3A_71 = vector.extract %slice3A_70[0] : i32 from vector<1xi32>
      %slice3A_72 = vector.extract_strided_slice %scan3A_68 {offsets = [1], sizes = [1], strides = [1]} : vector<16xi32> to vector<1xi32>
      %squeeze3A_73 = vector.extract %slice3A_72[0] : i32 from vector<1xi32>
      %add3A_74 = arith.addi %squeeze3A_71, %squeeze3A_73 : i32
      %slice3A_75 = vector.extract_strided_slice %scan3A_68 {offsets = [2], sizes = [1], strides = [1]} : vector<16xi32> to vector<1xi32>
      %squeeze3A_76 = vector.extract %slice3A_75[0] : i32 from vector<1xi32>
      %add3A_77 = arith.addi %add3A_74, %squeeze3A_76 : i32
      %slice3A_78 = vector.extract_strided_slice %scan3A_68 {offsets = [3], sizes = [1], strides = [1]} : vector<16xi32> to vector<1xi32>
      %squeeze3A_79 = vector.extract %slice3A_78[0] : i32 from vector<1xi32>
      %add3A_80 = arith.addi %add3A_77, %squeeze3A_79 : i32
      %slice3A_81 = vector.extract_strided_slice %scan3A_68 {offsets = [4], sizes = [1], strides = [1]} : vector<16xi32> to vector<1xi32>
      %squeeze3A_82 = vector.extract %slice3A_81[0] : i32 from vector<1xi32>
      %add3A_83 = arith.addi %add3A_80, %squeeze3A_82 : i32
      %slice3A_84 = vector.extract_strided_slice %scan3A_68 {offsets = [5], sizes = [1], strides = [1]} : vector<16xi32> to vector<1xi32>
      %squeeze3A_85 = vector.extract %slice3A_84[0] : i32 from vector<1xi32>
      %add3A_86 = arith.addi %add3A_83, %squeeze3A_85 : i32
      %slice3A_87 = vector.extract_strided_slice %scan3A_68 {offsets = [6], sizes = [1], strides = [1]} : vector<16xi32> to vector<1xi32>
      %squeeze3A_88 = vector.extract %slice3A_87[0] : i32 from vector<1xi32>
      %add3A_89 = arith.addi %add3A_86, %squeeze3A_88 : i32
      %slice3A_90 = vector.extract_strided_slice %scan3A_68 {offsets = [7], sizes = [1], strides = [1]} : vector<16xi32> to vector<1xi32>
      %squeeze3A_91 = vector.extract %slice3A_90[0] : i32 from vector<1xi32>
      %add3A_92 = arith.addi %add3A_89, %squeeze3A_91 : i32
      %slice3A_93 = vector.extract_strided_slice %scan3A_68 {offsets = [8], sizes = [1], strides = [1]} : vector<16xi32> to vector<1xi32>
      %squeeze3A_94 = vector.extract %slice3A_93[0] : i32 from vector<1xi32>
      %add3A_95 = arith.addi %add3A_92, %squeeze3A_94 : i32
      %slice3A_96 = vector.extract_strided_slice %scan3A_68 {offsets = [9], sizes = [1], strides = [1]} : vector<16xi32> to vector<1xi32>
      %squeeze3A_97 = vector.extract %slice3A_96[0] : i32 from vector<1xi32>
      %add3A_98 = arith.addi %add3A_95, %squeeze3A_97 : i32
      %slice3A_99 = vector.extract_strided_slice %scan3A_68 {offsets = [10], sizes = [1], strides = [1]} : vector<16xi32> to vector<1xi32>
      %squeeze3A_100 = vector.extract %slice3A_99[0] : i32 from vector<1xi32>
      %add3A_101 = arith.addi %add3A_98, %squeeze3A_100 : i32
      %slice3A_102 = vector.extract_strided_slice %scan3A_68 {offsets = [11], sizes = [1], strides = [1]} : vector<16xi32> to vector<1xi32>
      %squeeze3A_103 = vector.extract %slice3A_102[0] : i32 from vector<1xi32>
      %add3A_104 = arith.addi %add3A_101, %squeeze3A_103 : i32
      %slice3A_105 = vector.extract_strided_slice %scan3A_68 {offsets = [12], sizes = [1], strides = [1]} : vector<16xi32> to vector<1xi32>
      %squeeze3A_106 = vector.extract %slice3A_105[0] : i32 from vector<1xi32>
      %add3A_107 = arith.addi %add3A_104, %squeeze3A_106 : i32
      %slice3A_108 = vector.extract_strided_slice %scan3A_68 {offsets = [13], sizes = [1], strides = [1]} : vector<16xi32> to vector<1xi32>
      %squeeze3A_109 = vector.extract %slice3A_108[0] : i32 from vector<1xi32>
      %add3A_110 = arith.addi %add3A_107, %squeeze3A_109 : i32
      %slice3A_111 = vector.extract_strided_slice %scan3A_68 {offsets = [14], sizes = [1], strides = [1]} : vector<16xi32> to vector<1xi32>
      %squeeze3A_112 = vector.extract %slice3A_111[0] : i32 from vector<1xi32>
      %add3A_113 = arith.addi %add3A_110, %squeeze3A_112 : i32
      %slice3A_114 = vector.extract_strided_slice %scan3A_68 {offsets = [15], sizes = [1], strides = [1]} : vector<16xi32> to vector<1xi32>
      %squeeze3A_115 = vector.extract %slice3A_114[0] : i32 from vector<1xi32>
      %add3A_116 = arith.addi %add3A_113, %squeeze3A_115 : i32
      %get3A_117 = arith.constant 1 : i32
      %get3A_118 = arith.index_cast %get3A_117 : i32 to index
      %get3A_119 = arith.constant 4080 : index
      %get3A_120 = tpu.vector_load %arg4[%get3A_118, %get3A_119] {strides = array<i32>} : memref<4x4096xi32, #tpu.memory_space<vmem>>, vector<1x16xi32>,
      %get3A_121 = vector.shape_cast %get3A_120 : vector<1x16xi32> to vector<16xi32>
      %slice3A_122 = vector.extract_strided_slice %get3A_121 {offsets = [15], sizes = [1], strides = [1]} : vector<16xi32> to vector<1xi32>
      %squeeze3A_123 = vector.extract %slice3A_122[0] : i32 from vector<1xi32>
      %add3A_124 = arith.addi %squeeze3A_61, %squeeze3A_123 : i32
      %broadcast_in_dim3A_125 = arith.constant 0 : i32
      %broadcast_in_dim3A_126 = vector.broadcast %broadcast_in_dim3A_125 : i32 to vector<16xi32>
      %scan3A_127 = arith.constant 0 : i32
      %scan3A_128 = arith.constant 256 : i32
      %scan3A_129 = arith.addi %scan3A_127, %scan3A_128 : i32
      %scan3A_130 = arith.constant 1 : i32
      %scan3A_131 = scf.for %scan3A_302 = %scan3A_127 to %scan3A_129 step %scan3A_130 iter_args(%scan3A_303 = %broadcast_in_dim3A_126) -> (vector<16xi32>)  : i32 {
        %mul3A_304 = arith.constant 16 : i32
        %mul3A_305 = arith.muli %scan3A_302, %mul3A_304 : i32
        %multiple_of3A = tpu.assume_multiple %mul3A_305, 16 : i32
        %get3A_306 = arith.constant 2 : i32
        %get3A_307 = arith.index_cast %get3A_306 : i32 to index
        %get3A_308 = arith.index_cast %multiple_of3A : i32 to index
        %get3A_309 = tpu.vector_load %arg4[%get3A_307, %get3A_308] {strides = array<i32>} : memref<4x4096xi32, #tpu.memory_space<vmem>>, vector<1x16xi32>,
        %get3A_310 = vector.shape_cast %get3A_309 : vector<1x16xi32> to vector<16xi32>
        %add3A_311 = arith.addi %scan3A_303, %get3A_310 : vector<16xi32>
        scf.yield %add3A_311 : vector<16xi32>
      }
      %scan3A_132 = arith.constant 256 : i32
      %slice3A_133 = vector.extract_strided_slice %scan3A_131 {offsets = [0], sizes = [1], strides = [1]} : vector<16xi32> to vector<1xi32>
      %squeeze3A_134 = vector.extract %slice3A_133[0] : i32 from vector<1xi32>
      %slice3A_135 = vector.extract_strided_slice %scan3A_131 {offsets = [1], sizes = [1], strides = [1]} : vector<16xi32> to vector<1xi32>
      %squeeze3A_136 = vector.extract %slice3A_135[0] : i32 from vector<1xi32>
      %add3A_137 = arith.addi %squeeze3A_134, %squeeze3A_136 : i32
      %slice3A_138 = vector.extract_strided_slice %scan3A_131 {offsets = [2], sizes = [1], strides = [1]} : vector<16xi32> to vector<1xi32>
      %squeeze3A_139 = vector.extract %slice3A_138[0] : i32 from vector<1xi32>
      %add3A_140 = arith.addi %add3A_137, %squeeze3A_139 : i32
      %slice3A_141 = vector.extract_strided_slice %scan3A_131 {offsets = [3], sizes = [1], strides = [1]} : vector<16xi32> to vector<1xi32>
      %squeeze3A_142 = vector.extract %slice3A_141[0] : i32 from vector<1xi32>
      %add3A_143 = arith.addi %add3A_140, %squeeze3A_142 : i32
      %slice3A_144 = vector.extract_strided_slice %scan3A_131 {offsets = [4], sizes = [1], strides = [1]} : vector<16xi32> to vector<1xi32>
      %squeeze3A_145 = vector.extract %slice3A_144[0] : i32 from vector<1xi32>
      %add3A_146 = arith.addi %add3A_143, %squeeze3A_145 : i32
      %slice3A_147 = vector.extract_strided_slice %scan3A_131 {offsets = [5], sizes = [1], strides = [1]} : vector<16xi32> to vector<1xi32>
      %squeeze3A_148 = vector.extract %slice3A_147[0] : i32 from vector<1xi32>
      %add3A_149 = arith.addi %add3A_146, %squeeze3A_148 : i32
      %slice3A_150 = vector.extract_strided_slice %scan3A_131 {offsets = [6], sizes = [1], strides = [1]} : vector<16xi32> to vector<1xi32>
      %squeeze3A_151 = vector.extract %slice3A_150[0] : i32 from vector<1xi32>
      %add3A_152 = arith.addi %add3A_149, %squeeze3A_151 : i32
      %slice3A_153 = vector.extract_strided_slice %scan3A_131 {offsets = [7], sizes = [1], strides = [1]} : vector<16xi32> to vector<1xi32>
      %squeeze3A_154 = vector.extract %slice3A_153[0] : i32 from vector<1xi32>
      %add3A_155 = arith.addi %add3A_152, %squeeze3A_154 : i32
      %slice3A_156 = vector.extract_strided_slice %scan3A_131 {offsets = [8], sizes = [1], strides = [1]} : vector<16xi32> to vector<1xi32>
      %squeeze3A_157 = vector.extract %slice3A_156[0] : i32 from vector<1xi32>
      %add3A_158 = arith.addi %add3A_155, %squeeze3A_157 : i32
      %slice3A_159 = vector.extract_strided_slice %scan3A_131 {offsets = [9], sizes = [1], strides = [1]} : vector<16xi32> to vector<1xi32>
      %squeeze3A_160 = vector.extract %slice3A_159[0] : i32 from vector<1xi32>
      %add3A_161 = arith.addi %add3A_158, %squeeze3A_160 : i32
      %slice3A_162 = vector.extract_strided_slice %scan3A_131 {offsets = [10], sizes = [1], strides = [1]} : vector<16xi32> to vector<1xi32>
      %squeeze3A_163 = vector.extract %slice3A_162[0] : i32 from vector<1xi32>
      %add3A_164 = arith.addi %add3A_161, %squeeze3A_163 : i32
      %slice3A_165 = vector.extract_strided_slice %scan3A_131 {offsets = [11], sizes = [1], strides = [1]} : vector<16xi32> to vector<1xi32>
      %squeeze3A_166 = vector.extract %slice3A_165[0] : i32 from vector<1xi32>
      %add3A_167 = arith.addi %add3A_164, %squeeze3A_166 : i32
      %slice3A_168 = vector.extract_strided_slice %scan3A_131 {offsets = [12], sizes = [1], strides = [1]} : vector<16xi32> to vector<1xi32>
      %squeeze3A_169 = vector.extract %slice3A_168[0] : i32 from vector<1xi32>
      %add3A_170 = arith.addi %add3A_167, %squeeze3A_169 : i32
      %slice3A_171 = vector.extract_strided_slice %scan3A_131 {offsets = [13], sizes = [1], strides = [1]} : vector<16xi32> to vector<1xi32>
      %squeeze3A_172 = vector.extract %slice3A_171[0] : i32 from vector<1xi32>
      %add3A_173 = arith.addi %add3A_170, %squeeze3A_172 : i32
      %slice3A_174 = vector.extract_strided_slice %scan3A_131 {offsets = [14], sizes = [1], strides = [1]} : vector<16xi32> to vector<1xi32>
      %squeeze3A_175 = vector.extract %slice3A_174[0] : i32 from vector<1xi32>
      %add3A_176 = arith.addi %add3A_173, %squeeze3A_175 : i32
      %slice3A_177 = vector.extract_strided_slice %scan3A_131 {offsets = [15], sizes = [1], strides = [1]} : vector<16xi32> to vector<1xi32>
      %squeeze3A_178 = vector.extract %slice3A_177[0] : i32 from vector<1xi32>
      %add3A_179 = arith.addi %add3A_176, %squeeze3A_178 : i32
      %get3A_180 = arith.constant 2 : i32
      %get3A_181 = arith.index_cast %get3A_180 : i32 to index
      %get3A_182 = arith.constant 4080 : index
      %get3A_183 = tpu.vector_load %arg4[%get3A_181, %get3A_182] {strides = array<i32>} : memref<4x4096xi32, #tpu.memory_space<vmem>>, vector<1x16xi32>,
      %get3A_184 = vector.shape_cast %get3A_183 : vector<1x16xi32> to vector<16xi32>
      %slice3A_185 = vector.extract_strided_slice %get3A_184 {offsets = [15], sizes = [1], strides = [1]} : vector<16xi32> to vector<1xi32>
      %squeeze3A_186 = vector.extract %slice3A_185[0] : i32 from vector<1xi32>
      %add3A_187 = arith.addi %add3A_124, %squeeze3A_186 : i32
      %broadcast_in_dim3A_188 = arith.constant 0 : i32
      %broadcast_in_dim3A_189 = vector.broadcast %broadcast_in_dim3A_188 : i32 to vector<16xi32>
      %scan3A_190 = arith.constant 0 : i32
      %scan3A_191 = arith.constant 256 : i32
      %scan3A_192 = arith.addi %scan3A_190, %scan3A_191 : i32
      %scan3A_193 = arith.constant 1 : i32
      %scan3A_194 = scf.for %scan3A_302 = %scan3A_190 to %scan3A_192 step %scan3A_193 iter_args(%scan3A_303 = %broadcast_in_dim3A_189) -> (vector<16xi32>)  : i32 {
        %mul3A_304 = arith.constant 16 : i32
        %mul3A_305 = arith.muli %scan3A_302, %mul3A_304 : i32
        %multiple_of3A = tpu.assume_multiple %mul3A_305, 16 : i32
        %get3A_306 = arith.constant 3 : i32
        %get3A_307 = arith.index_cast %get3A_306 : i32 to index
        %get3A_308 = arith.index_cast %multiple_of3A : i32 to index
        %get3A_309 = tpu.vector_load %arg4[%get3A_307, %get3A_308] {strides = array<i32>} : memref<4x4096xi32, #tpu.memory_space<vmem>>, vector<1x16xi32>,
        %get3A_310 = vector.shape_cast %get3A_309 : vector<1x16xi32> to vector<16xi32>
        %add3A_311 = arith.addi %scan3A_303, %get3A_310 : vector<16xi32>
        scf.yield %add3A_311 : vector<16xi32>
      }
      %scan3A_195 = arith.constant 256 : i32
      %slice3A_196 = vector.extract_strided_slice %scan3A_194 {offsets = [0], sizes = [1], strides = [1]} : vector<16xi32> to vector<1xi32>
      %squeeze3A_197 = vector.extract %slice3A_196[0] : i32 from vector<1xi32>
      %slice3A_198 = vector.extract_strided_slice %scan3A_194 {offsets = [1], sizes = [1], strides = [1]} : vector<16xi32> to vector<1xi32>
      %squeeze3A_199 = vector.extract %slice3A_198[0] : i32 from vector<1xi32>
      %add3A_200 = arith.addi %squeeze3A_197, %squeeze3A_199 : i32
      %slice3A_201 = vector.extract_strided_slice %scan3A_194 {offsets = [2], sizes = [1], strides = [1]} : vector<16xi32> to vector<1xi32>
      %squeeze3A_202 = vector.extract %slice3A_201[0] : i32 from vector<1xi32>
      %add3A_203 = arith.addi %add3A_200, %squeeze3A_202 : i32
      %slice3A_204 = vector.extract_strided_slice %scan3A_194 {offsets = [3], sizes = [1], strides = [1]} : vector<16xi32> to vector<1xi32>
      %squeeze3A_205 = vector.extract %slice3A_204[0] : i32 from vector<1xi32>
      %add3A_206 = arith.addi %add3A_203, %squeeze3A_205 : i32
      %slice3A_207 = vector.extract_strided_slice %scan3A_194 {offsets = [4], sizes = [1], strides = [1]} : vector<16xi32> to vector<1xi32>
      %squeeze3A_208 = vector.extract %slice3A_207[0] : i32 from vector<1xi32>
      %add3A_209 = arith.addi %add3A_206, %squeeze3A_208 : i32
      %slice3A_210 = vector.extract_strided_slice %scan3A_194 {offsets = [5], sizes = [1], strides = [1]} : vector<16xi32> to vector<1xi32>
      %squeeze3A_211 = vector.extract %slice3A_210[0] : i32 from vector<1xi32>
      %add3A_212 = arith.addi %add3A_209, %squeeze3A_211 : i32
      %slice3A_213 = vector.extract_strided_slice %scan3A_194 {offsets = [6], sizes = [1], strides = [1]} : vector<16xi32> to vector<1xi32>
      %squeeze3A_214 = vector.extract %slice3A_213[0] : i32 from vector<1xi32>
      %add3A_215 = arith.addi %add3A_212, %squeeze3A_214 : i32
      %slice3A_216 = vector.extract_strided_slice %scan3A_194 {offsets = [7], sizes = [1], strides = [1]} : vector<16xi32> to vector<1xi32>
      %squeeze3A_217 = vector.extract %slice3A_216[0] : i32 from vector<1xi32>
      %add3A_218 = arith.addi %add3A_215, %squeeze3A_217 : i32
      %slice3A_219 = vector.extract_strided_slice %scan3A_194 {offsets = [8], sizes = [1], strides = [1]} : vector<16xi32> to vector<1xi32>
      %squeeze3A_220 = vector.extract %slice3A_219[0] : i32 from vector<1xi32>
      %add3A_221 = arith.addi %add3A_218, %squeeze3A_220 : i32
      %slice3A_222 = vector.extract_strided_slice %scan3A_194 {offsets = [9], sizes = [1], strides = [1]} : vector<16xi32> to vector<1xi32>
      %squeeze3A_223 = vector.extract %slice3A_222[0] : i32 from vector<1xi32>
      %add3A_224 = arith.addi %add3A_221, %squeeze3A_223 : i32
      %slice3A_225 = vector.extract_strided_slice %scan3A_194 {offsets = [10], sizes = [1], strides = [1]} : vector<16xi32> to vector<1xi32>
      %squeeze3A_226 = vector.extract %slice3A_225[0] : i32 from vector<1xi32>
      %add3A_227 = arith.addi %add3A_224, %squeeze3A_226 : i32
      %slice3A_228 = vector.extract_strided_slice %scan3A_194 {offsets = [11], sizes = [1], strides = [1]} : vector<16xi32> to vector<1xi32>
      %squeeze3A_229 = vector.extract %slice3A_228[0] : i32 from vector<1xi32>
      %add3A_230 = arith.addi %add3A_227, %squeeze3A_229 : i32
      %slice3A_231 = vector.extract_strided_slice %scan3A_194 {offsets = [12], sizes = [1], strides = [1]} : vector<16xi32> to vector<1xi32>
      %squeeze3A_232 = vector.extract %slice3A_231[0] : i32 from vector<1xi32>
      %add3A_233 = arith.addi %add3A_230, %squeeze3A_232 : i32
      %slice3A_234 = vector.extract_strided_slice %scan3A_194 {offsets = [13], sizes = [1], strides = [1]} : vector<16xi32> to vector<1xi32>
      %squeeze3A_235 = vector.extract %slice3A_234[0] : i32 from vector<1xi32>
      %add3A_236 = arith.addi %add3A_233, %squeeze3A_235 : i32
      %slice3A_237 = vector.extract_strided_slice %scan3A_194 {offsets = [14], sizes = [1], strides = [1]} : vector<16xi32> to vector<1xi32>
      %squeeze3A_238 = vector.extract %slice3A_237[0] : i32 from vector<1xi32>
      %add3A_239 = arith.addi %add3A_236, %squeeze3A_238 : i32
      %slice3A_240 = vector.extract_strided_slice %scan3A_194 {offsets = [15], sizes = [1], strides = [1]} : vector<16xi32> to vector<1xi32>
      %squeeze3A_241 = vector.extract %slice3A_240[0] : i32 from vector<1xi32>
      %add3A_242 = arith.addi %add3A_239, %squeeze3A_241 : i32
      %get3A_243 = arith.constant 3 : i32
      %get3A_244 = arith.index_cast %get3A_243 : i32 to index
      %get3A_245 = arith.constant 4080 : index
      %get3A_246 = tpu.vector_load %arg4[%get3A_244, %get3A_245] {strides = array<i32>} : memref<4x4096xi32, #tpu.memory_space<vmem>>, vector<1x16xi32>,
      %get3A_247 = vector.shape_cast %get3A_246 : vector<1x16xi32> to vector<16xi32>
      %slice3A_248 = vector.extract_strided_slice %get3A_247 {offsets = [15], sizes = [1], strides = [1]} : vector<16xi32> to vector<1xi32>
      %squeeze3A_249 = vector.extract %slice3A_248[0] : i32 from vector<1xi32>
      %add3A_250 = arith.addi %add3A_187, %squeeze3A_249 : i32
      %eq3A_251 = arith.constant 4 : i32
      %eq3A_252 = arith.cmpi eq, %add3A_250, %eq3A_251 : i32
      %sub3A = arith.constant 1 : i32
      %sub3A_253 = arith.subi %add3A_55, %sub3A : i32
      %and3A = arith.constant 4095 : i32
      %and3A_254 = arith.andi %sub3A_253, %and3A : i32
      %jit3A = arith.constant 4095 : i32
      %select_n3A = arith.select %eq3A_252, %jit3A, %and3A_254 : i32
      %eq3A_255 = arith.constant 0 : i32
      %eq3A_256 = vector.broadcast %eq3A_255 : i32 to vector<16xi32>
      %eq3A_257 = arith.cmpi eq, %iota3A, %eq3A_256 : vector<16xi32>
      %broadcast_in_dim3A_258 = vector.broadcast %select_n3A : i32 to vector<16xi32>
      %select_n3A_259 = arith.select %eq3A_257, %broadcast_in_dim3A_258, %broadcast_in_dim3A_3 : vector<16xi1>, vector<16xi32>
      %eq3A_260 = arith.constant 4 : i32
      %eq3A_261 = arith.cmpi eq, %add3A_250, %eq3A_260 : i32
      %sub3A_262 = arith.constant 1 : i32
      %sub3A_263 = arith.subi %add3A_116, %sub3A_262 : i32
      %and3A_264 = arith.constant 4095 : i32
      %and3A_265 = arith.andi %sub3A_263, %and3A_264 : i32
      %jit3A_266 = arith.constant 4095 : i32
      %select_n3A_267 = arith.select %eq3A_261, %jit3A_266, %and3A_265 : i32
      %eq3A_268 = arith.constant 1 : i32
      %eq3A_269 = vector.broadcast %eq3A_268 : i32 to vector<16xi32>
      %eq3A_270 = arith.cmpi eq, %iota3A, %eq3A_269 : vector<16xi32>
      %broadcast_in_dim3A_271 = vector.broadcast %select_n3A_267 : i32 to vector<16xi32>
      %select_n3A_272 = arith.select %eq3A_270, %broadcast_in_dim3A_271, %select_n3A_259 : vector<16xi1>, vector<16xi32>
      %eq3A_273 = arith.constant 4 : i32
      %eq3A_274 = arith.cmpi eq, %add3A_250, %eq3A_273 : i32
      %sub3A_275 = arith.constant 1 : i32
      %sub3A_276 = arith.subi %add3A_179, %sub3A_275 : i32
      %and3A_277 = arith.constant 4095 : i32
      %and3A_278 = arith.andi %sub3A_276, %and3A_277 : i32
      %jit3A_279 = arith.constant 4095 : i32
      %select_n3A_280 = arith.select %eq3A_274, %jit3A_279, %and3A_278 : i32
      %eq3A_281 = arith.constant 2 : i32
      %eq3A_282 = vector.broadcast %eq3A_281 : i32 to vector<16xi32>
      %eq3A_283 = arith.cmpi eq, %iota3A, %eq3A_282 : vector<16xi32>
      %broadcast_in_dim3A_284 = vector.broadcast %select_n3A_280 : i32 to vector<16xi32>
      %select_n3A_285 = arith.select %eq3A_283, %broadcast_in_dim3A_284, %select_n3A_272 : vector<16xi1>, vector<16xi32>
      %eq3A_286 = arith.constant 4 : i32
      %eq3A_287 = arith.cmpi eq, %add3A_250, %eq3A_286 : i32
      %sub3A_288 = arith.constant 1 : i32
      %sub3A_289 = arith.subi %add3A_242, %sub3A_288 : i32
      %and3A_290 = arith.constant 4095 : i32
      %and3A_291 = arith.andi %sub3A_289, %and3A_290 : i32
      %jit3A_292 = arith.constant 4095 : i32
      %select_n3A_293 = arith.select %eq3A_287, %jit3A_292, %and3A_291 : i32
      %eq3A_294 = arith.constant 3 : i32
      %eq3A_295 = vector.broadcast %eq3A_294 : i32 to vector<16xi32>
      %eq3A_296 = arith.cmpi eq, %iota3A, %eq3A_295 : vector<16xi32>
      %broadcast_in_dim3A_297 = vector.broadcast %select_n3A_293 : i32 to vector<16xi32>
      %select_n3A_298 = arith.select %eq3A_296, %broadcast_in_dim3A_297, %select_n3A_285 : vector<16xi1>, vector<16xi32>
      %swap3A = arith.constant 0 : index
      %swap3A_299 = tpu.vector_load %arg5[%swap3A] {strides = array<i32>} : memref<16xi32, #tpu.memory_space<vmem>>, vector<16xi32>,
      %swap3A_300 = vector.shape_cast %swap3A_299 : vector<16xi32> to vector<16xi32>
      %swap3A_301 = vector.shape_cast %select_n3A_298 : vector<16xi32> to vector<16xi32>
      tpu.vector_store %arg5[%swap3A], %swap3A_301 {strides = array<i32>} : memref<16xi32, #tpu.memory_space<vmem>>, vector<16xi32>,
      "tpu.region"() ({
        %run_scoped3A = tpu.sem_alloc : memref<!tpu.dma_semaphore, #tpu.memory_space<semaphore_mem>>
        tpu.enqueue_dma source(%arg5 : memref<16xi32, #tpu.memory_space<vmem>>) target(%arg3 : memref<16xi32, #tpu.memory_space<hbm>>) target_semaphore(%run_scoped3A : memref<!tpu.dma_semaphore, #tpu.memory_space<semaphore_mem>>)
        tpu.wait_dma2 semaphore(%run_scoped3A : memref<!tpu.dma_semaphore, #tpu.memory_space<semaphore_mem>>) src(%arg5 : memref<16xi32, #tpu.memory_space<vmem>>) dst(%arg3 : memref<16xi32, #tpu.memory_space<hbm>>)
        tpu.yield
      }) : () -> ()
    } else {
    }
    return
  }
}

module attributes {stable_mosaic.version = 14 : i64} {
  func.func @_gather_body(%arg0: i32, %arg1: memref<16xi32, #tpu.memory_space<smem>>, %arg2: memref<1x8x4096xf32, #tpu.memory_space<vmem>>, %arg3: memref<1x1x4096xf32, #tpu.memory_space<vmem>>) attributes {dimension_semantics = [#tpu.dimension_semantics<arbitrary>], iteration_bounds = array<i64: 4>, scalar_prefetch = 1 : i64, scratch_operands = 0 : i64, tpu.core_type = #tpu.core_type<tc>, window_params = [{transform_indices = @transform_0, window_bounds = array<i64: 1, 8, 4096>}, {transform_indices = @transform_1, window_bounds = array<i64: 1, 1, 4096>}]} {
    %get3A = arith.index_cast %arg0 : i32 to index
    %get3A_0 = memref.load %arg1[%get3A] : memref<16xi32, #tpu.memory_space<smem>>
    %jit3A = arith.constant 8 : i32
    %eq3A = arith.constant 0 : i32
    %eq3A_1 = arith.cmpi eq, %jit3A, %eq3A : i32
    %jit3A_2 = arith.constant 1 : i32
    %select_n3A = arith.select %eq3A_1, %jit3A_2, %jit3A : i32
    %rem3A = arith.remsi %get3A_0, %select_n3A : i32
    %ne3A = arith.constant 0 : i32
    %ne3A_3 = arith.cmpi ne, %rem3A, %ne3A : i32
    %lt3A = arith.constant 0 : i32
    %lt3A_4 = arith.cmpi slt, %rem3A, %lt3A : i32
    %lt3A_5 = arith.constant 0 : i32
    %lt3A_6 = arith.cmpi slt, %select_n3A, %lt3A_5 : i32
    %ne3A_7 = arith.xori %lt3A_4, %lt3A_6 : i1
    %and3A = arith.andi %ne3A_7, %ne3A_3 : i1
    %add3A = arith.addi %rem3A, %select_n3A : i32
    %select_n3A_8 = arith.select %and3A, %add3A, %rem3A : i32
    %get3A_9 = arith.constant 0 : index
    %get3A_10 = arith.index_cast %select_n3A_8 : i32 to index
    %get3A_11 = arith.constant 0 : index
    %get3A_12 = vector.load %arg2[%get3A_9, %get3A_10, %get3A_11] : memref<1x8x4096xf32, #tpu.memory_space<vmem>>, vector<1x1x4096xf32>
    %get3A_13 = vector.shape_cast %get3A_12 : vector<1x1x4096xf32> to vector<1x4096xf32>
    %reshape3A = vector.shape_cast %get3A_13 : vector<1x4096xf32> to vector<1x1x4096xf32>
    %swap3A = arith.constant 0 : index
    %swap3A_14 = arith.constant 0 : index
    %swap3A_15 = arith.constant 0 : index
    %swap3A_16 = vector.load %arg3[%swap3A, %swap3A_14, %swap3A_15] : memref<1x1x4096xf32, #tpu.memory_space<vmem>>, vector<1x1x4096xf32>
    tpu.vector_store %arg3[%swap3A, %swap3A_14, %swap3A_15], %reshape3A {strides = array<i32>} : memref<1x1x4096xf32, #tpu.memory_space<vmem>>, vector<1x1x4096xf32>,
    return
  }
  func.func @transform_0(%arg0: i32, %arg1: memref<16xi32, #tpu.memory_space<smem>>) -> (i32, i32, i32) {
    %get3A = arith.index_cast %arg0 : i32 to index
    %get3A_0 = memref.load %arg1[%get3A] : memref<16xi32, #tpu.memory_space<smem>>
    %jit3A = arith.constant 8 : i32
    %div3A = arith.divsi %get3A_0, %jit3A : i32
    %sign3A = arith.constant 0 : i32
    %sign3A_1 = arith.cmpi sgt, %get3A_0, %sign3A : i32
    %sign3A_2 = arith.extui %sign3A_1 : i1 to i32
    %sign3A_3 = arith.constant 0 : i32
    %sign3A_4 = arith.cmpi slt, %get3A_0, %sign3A_3 : i32
    %sign3A_5 = arith.extui %sign3A_4 : i1 to i32
    %sign3A_6 = arith.subi %sign3A_2, %sign3A_5 : i32
    %sign3A_7 = arith.constant 0 : i32
    %sign3A_8 = arith.cmpi sgt, %jit3A, %sign3A_7 : i32
    %sign3A_9 = arith.extui %sign3A_8 : i1 to i32
    %sign3A_10 = arith.constant 0 : i32
    %sign3A_11 = arith.cmpi slt, %jit3A, %sign3A_10 : i32
    %sign3A_12 = arith.extui %sign3A_11 : i1 to i32
    %sign3A_13 = arith.subi %sign3A_9, %sign3A_12 : i32
    %ne3A = arith.cmpi ne, %sign3A_6, %sign3A_13 : i32
    %rem3A = arith.remsi %get3A_0, %jit3A : i32
    %ne3A_14 = arith.constant 0 : i32
    %ne3A_15 = arith.cmpi ne, %rem3A, %ne3A_14 : i32
    %and3A = arith.andi %ne3A, %ne3A_15 : i1
    %sub3A = arith.constant 1 : i32
    %sub3A_16 = arith.subi %div3A, %sub3A : i32
    %select_n3A = arith.select %and3A, %sub3A_16, %div3A : i32
    %c0_i32 = arith.constant 0 : i32
    %c0_i32_17 = arith.constant 0 : i32
    return %arg0, %select_n3A, %c0_i32 : i32, i32, i32
  }
  func.func @transform_1(%arg0: i32, %arg1: memref<16xi32, #tpu.memory_space<smem>>) -> (i32, i32, i32) {
    %c0_i32 = arith.constant 0 : i32
    %c0_i32_0 = arith.constant 0 : i32
    %c0_i32_1 = arith.constant 0 : i32
    return %arg0, %c0_i32, %c0_i32_0 : i32, i32, i32
  }
}

</mosaic_0001>

<sc_bundles>
// kernel: kernel.4.cloned.1.call-start
scs
__scs_entry_jumppad:
0x0: {  	(pc) =	sbr.rel $0x88, $3  }
0x1: {  	(tag) =	ssettag $0x0;
	lr =	simm.s32 $0x1  }
0x2: {  	[smem:$0x3F9F] =	sst lr;
	_ =	strace $0xD0000000  }
0x3: {  	_ = 	snop  }
0x4: {  	_ = 	snop  }
0x5: {  	_ = 	snop  }
0x6: {  	_ = 	snop  }
0x7: {  	_ = 	snop  }
__scs_overlays_trampoline_lowered:
0x8: {  	[smem:$0x3FAE] =	sst s0  }
0x9: {  	[smem:$0x3FAF] =	sst s1  }
0xa: {  	[smem:$0x3FB0] =	sst s2  }
0xb: {  	[smem:$0x3FB1] =	sst s3  }
0xc: {  	[smem:$0x3FB2] =	sst s4  }
0xd: {  	[smem:$0x3FB3] =	sst s5  }
0xe: {  	[smem:$0x3FB4] =	sst s6  }
0xf: {  	[smem:$0x3FB5] =	sst s7  }
0x10: {  	[smem:$0x3FB6] =	sst s8  }
0x11: {  	[smem:$0x3FB7] =	sst s9;
	s0 =	simm.s32 @!p0 $0x0  }
0x12: {  	s1 =	sld [smem:$0x3F9D];
	s0 =	simm.s32 @p0 $0x1  }
0x13: {  	[smem:$0x3FB8] =	sst s0;
	s0 =	simm.s32 @!p1 $0x0  }
0x14: {  	s2 =	sld [smem:$0x3F9C];
	s0 =	simm.s32 @p1 $0x1  }
0x15: {  	[smem:$0x3FB9] =	sst s0;
	s0 =	simm.s32 @!p2 $0x0  }
0x16: {  	s3 =	sld [smem:$0x3FDB];
	s0 =	simm.s32 @p2 $0x1  }
0x17: {  	s4 =	simm.s32 $0x1BF5;
	[smem:$0x3FBB] =	sst s0  }
0x18: {  	s0 =	sld [smem:$0x3F9E];
	_ =	swait.ge [sflag:s4], $0x0  }
0x19: {  	s7 =	sld [smem:$0x3F9F]  }
0x1a: {  	s8 =	sadd.s32 $0xFFFFE003, lr  }
0x1b: {  	s9 =	sadd.s32 $0xFFFFFEF7, lr;
	s5 =	simm.s32 $0xFFFFFFFF;
	p2 =	slt.u32 s8, $0xFFFFF086  }
0x1c: {  	p1 =	slt.u32 s9, $0xF7A;
	s5 =	simm.s32 @!p2 $0x0  }
0x1d: {  	s5 =	simm.s32 @p1 $0x1;
	p0 =	seq.s32 s7, s2  }
0x1e: {  	s7 =	smul.u32 @!p0 $0xF7A, s2;
	p2 =	seq.s32 @!p0 s5, $0x0  }
0x1f: {  	s9 =	smul.u32 $0xF7A, s1;
	s8 =	simm.s32 @!p0 $0x1BF5;
	p2 =	por !p2, p0  }
0x20: {  	[sflag:s8] =	ssyncset.s32 @!p0 $0xFFFFF086;
	s6 =	sadd.s32 @!p0 s3, s7;
	s7 =	simm.s32 @!p0 $0x108  }
0x21: {  	s3 =	sadd.s32 s3, s9;
	s6 =	sadd.s32 @!p0 $0x88, s6;
	s7 =	simm.s32 @p2 $0x1082  }
0x22: {  	[simem:s7], [sflag:s8] =	dma.local @!p0 [hbm:s6], $0xF7A  }
0x23: {  	s9 =	sor.u32 $0xD0000000, s2;
	s6 =	simm.s32 $0x108;
	_ =	swait.ge @!p0 [sflag:s8], $0x0  }
0x24: {  	s3 =	sadd.s32 $0x88, s3;
	s6 =	simm.s32 @!p1 $0x1082;
	[sflag:s4] =	ssyncset.s32 $0xFFFFF086  }
0x25: {  	[simem:s6], [sflag:s4] =	dma.local [hbm:s3], $0xF7A  }
0x26: {  	[smem:$0x3F9F] =	sst s1;
	(tag) =	ssettag s2;
	_ =	strace s9  }
0x27: {  	s1 =	sld [smem:$0x3FAF]  }
0x28: {  	s2 =	sld [smem:$0x3FB0]  }
0x29: {  	s4 =	sld [smem:$0x3FB2]  }
0x2a: {  	p0 =	seq.s32 s5, $0x0;
	s5 =	sld [smem:$0x3FB3]  }
0x2b: {  	s6 =	sld [smem:$0x3FB4]  }
0x2c: {  	s7 =	sld [smem:$0x3FB5]  }
0x2d: {  	s3 =	simm.s32 $0x108;
	s8 =	sld [smem:$0x3FB6]  }
0x2e: {  	s3 =	simm.s32 @!p0 $0x1082;
	s9 =	sld [smem:$0x3FB7]  }
0x2f: {  	lr =	sadd.s32 s0, s3;
	s0 =	sld [smem:$0x3FAE]  }
0x30: {  	s3 =	sld [smem:$0x3FB1]  }
0x31: {  	[smem:$0x3FBA] =	sst s10  }
0x32: {  	s10 =	sld [smem:$0x3FB8];
	_ =	sdelay $0x3  }
0x33: {  	p0 =	seq.s32 s10, $0x1;
	s10 =	sld [smem:$0x3FBA];
	_ =	sdelay $0x3  }
0x34: {  	[smem:$0x3FBA] =	sst s10  }
0x35: {  	s10 =	sld [smem:$0x3FB9];
	_ =	sdelay $0x3  }
0x36: {  	p1 =	seq.s32 s10, $0x1;
	s10 =	sld [smem:$0x3FBA];
	_ =	sdelay $0x3  }
0x37: {  	[smem:$0x3FBA] =	sst s10  }
0x38: {  	s10 =	sld [smem:$0x3FBB]  }
0x39: {  	_ = 	snop;
	(pc) =	sbr.ind lr, $3  }
0x3a: {  	_ = 	snop  }
0x3b: {  	_ = 	snop  }
0x3c: {  	p2 =	seq.s32 s10, $0x1;
	s10 =	sld [smem:$0x3FBA]  }
0x3d: {  	_ =	shalt  }
0x3e: {  	_ =	shalt  }
0x3f: {  	_ =	shalt  }
0x40: {  	_ =	shalt  }
0x41: {  	_ =	shalt  }
0x42: {  	_ =	shalt  }
0x43: {  	_ =	shalt  }
0x44: {  	_ =	shalt  }
0x45: {  	_ =	shalt  }
0x46: {  	_ =	shalt  }
0x47: {  	_ =	shalt  }
0x48: {  	_ =	shalt  }
0x49: {  	_ =	shalt  }
0x4a: {  	_ =	shalt  }
0x4b: {  	_ =	shalt  }
0x4c: {  	_ =	shalt  }
0x4d: {  	_ =	shalt  }
0x4e: {  	_ =	shalt  }
0x4f: {  	_ =	shalt  }
0x50: {  	_ =	shalt  }
0x51: {  	_ =	shalt  }
0x52: {  	_ =	shalt  }
0x53: {  	_ =	shalt  }
0x54: {  	_ =	shalt  }
0x55: {  	_ =	shalt  }
0x56: {  	_ =	shalt  }
0x57: {  	_ =	shalt  }
0x58: {  	_ =	shalt  }
0x59: {  	_ =	shalt  }
0x5a: {  	_ =	shalt  }
0x5b: {  	_ =	shalt  }
0x5c: {  	_ =	shalt  }
0x5d: {  	_ =	shalt  }
0x5e: {  	_ =	shalt  }
0x5f: {  	_ =	shalt  }
0x60: {  	_ =	shalt  }
0x61: {  	_ =	shalt  }
0x62: {  	_ =	shalt  }
0x63: {  	_ =	shalt  }
0x64: {  	_ =	shalt  }
0x65: {  	_ =	shalt  }
0x66: {  	_ =	shalt  }
0x67: {  	_ =	shalt  }
0x68: {  	_ =	shalt  }
0x69: {  	_ =	shalt  }
0x6a: {  	_ =	shalt  }
0x6b: {  	_ =	shalt  }
0x6c: {  	_ =	shalt  }
0x6d: {  	_ =	shalt  }
0x6e: {  	_ =	shalt  }
0x6f: {  	_ =	shalt  }
0x70: {  	_ =	shalt  }
0x71: {  	_ =	shalt  }
0x72: {  	_ =	shalt  }
0x73: {  	_ =	shalt  }
0x74: {  	_ =	shalt  }
0x75: {  	_ =	shalt  }
0x76: {  	_ =	shalt  }
0x77: {  	_ =	shalt  }
0x78: {  	_ =	shalt  }
0x79: {  	_ =	shalt  }
0x7a: {  	_ =	shalt  }
0x7b: {  	_ =	shalt  }
0x7c: {  	_ =	shalt  }
0x7d: {  	_ =	shalt  }
0x7e: {  	_ =	shalt  }
0x7f: {  	_ =	shalt  }
0x80: {  	_ =	shalt  }
0x81: {  	_ =	shalt  }
0x82: {  	_ =	shalt  }
0x83: {  	_ =	shalt  }
0x84: {  	_ =	shalt  }
0x85: {  	_ =	shalt  }
0x86: {  	_ =	shalt  }
0x87: {  	_ =	shalt  }
.Lfunc_end0:
.L_simem_size_0:
called_computation_lowered:
.L_overlay_start_0:
0x88: {  	s2 =	sld [smem:$0x3FD9]  }
0x89: {  	s3 =	sld [smem:$0x3FFE];
	_ =	sdelay $0x1  }
0x8a: {  	s1 =	srdreg.scid  }
0x8b: {  	s0 =	sand.u32 $0x1, s1  }
0x8c: {  	s18 =	sshll.u32 s0, $0xA;
	s2 =	sadd.s32 s3, s2  }
0x8d: {  	s2 =	sadd.s32 s2, s18  }
0x8e: {  	[smem:$0x3FC6] =	sst s2  }
0x8f: {  	_ = 	snop  }
0x90: {  	s2 =	sld [smem:$0x3FC8]  }
0x91: {  	s19 =	sld [smem:$0x3FD0];
	(tm) =	ssettm $0x1  }
0x92: {  	s4 =	sld [smem:$0x3FFB];
	_ =	sdelay $0x3  }
0x93: {  	_ =	strace s4  }
0x94: {  	s4 =	sld [smem:$0x3FFC];
	_ =	sdelay $0x3  }
0x95: {  	_ =	strace s4  }
0x96: {  	s4 =	sld [smem:$0x3FFD];
	_ =	sdelay $0x3  }
0x97: {  	_ =	strace s4  }
0x98: {  	_ =	strace $0x8FFFFFFF  }
0x99: {  	s20 =	sld [smem:$0x3FDB];
	_ =	sdelay $0x1  }
0x9a: {  	s5 =	simm.s32 $_scs_section_size  }
0x9b: {  	s6 =	simm.s32 $_size__tile_overlayer_lowered;
	s7 =	simm.s32 $_tile_overlayer_lowered  }
0x9c: {  	s23 =	simm.s32 $0x1BFF;
	s22 =	sshll.u32 s7, $0x1;
	s4 =	sadd.s32 s5, s20  }
0x9d: {  	s8 =	simm.s32 $0x0;
	s21 =	sshll.u32 s6, $0x1;
	s6 =	sadd.s32 s22, s4  }
0x9e: {  	[timem:s8], [sflag:s23] =	dma.local [hbm:s6], s21  }
0x9f: {  	_ =	swait.ge [sflag:s23], s21  }
0xa0: {  	s5 =	ssub.s32 $0x0, s21;
	[sflag:s23] =	ssyncset.done $0x0  }
0xa1: {  	[sflag:s23] =	ssyncadd.s32 s5;
	_ =	sdelay $0x1  }
0xa2: {  	s24 =	simm.s32 $0x1B8B  }
0xa3: {  	_ =	swait.ge [sflag:s24], $0x1  }
0xa4: {  	[sflag:s24] =	ssyncset.done $0x0  }
0xa5: {  	s25 =	simm.s32 $0x1B8E;
	[sflag:s24] =	ssyncadd.s32 $0xFFFFFFFF  }
0xa6: {  	s26 =	simm.s32 $execute0_lowered;
	[smem:$0x3FD2] =	sst s25  }
0xa7: {  	s5 =	sshll.u32 s26, $0x1;
	_ =	strace $0x80000046;
	[dreg:$0x1] =	wrdreg $0xFFFFFFFF  }
0xa8: {  	s28 =	simm.s32 $_size_execute0_lowered;
	s4 =	sadd.s32 s4, s5;
	[dreg:$0x0] =	wrdreg $0x0  }
0xa9: {  	s5 =	sshll.u32 s28, $0x1;
	[dreg:$0x2] =	wrdreg s4  }
0xaa: {  	[dreg:$0x3] =	wrdreg s5  }
0xab: {  	[dreg:$0x4] =	wrdreg $0xC0  }
0xac: {  	_ =	task [dreg:s8], $0x5FFFF  }
0xad: {  	[dreg:$0x1] =	wrdreg $0xFFFFFFFF  }
0xae: {  	[dreg:$0x0] =	wrdreg $0x60  }
0xaf: {  	[dreg:$0x2] =	wrdreg s2  }
0xb0: {  	[dreg:$0x3] =	wrdreg s19  }
0xb1: {  	[dreg:$0x4] =	wrdreg $0x9  }
0xb2: {  	_ =	task.clear_ibuf [dreg:s8], $0x5FFFF;
	_ =	strace $0x90000046  }
0xb3: {  	s29 =	simm.s32 $0x9;
	_ =	strace $0x80000048  }
0xb4: {  	_ =	swait.ge [sflag:s29], $0x1  }
0xb5: {  	[sflag:s29] =	ssyncadd.s32 $0xFFFFFFFF  }
0xb6: {  	_ =	strace $0x90000048  }
0xb7: {  	_ =	sfence  }
0xb8: {  	s30 =	sld [smem:$0x0];
	_ =	sdelay $0x2  }
0xb9: {  	s31 =	sshll.u32 s1, $0xD;
	s1 =	sshrl.u32 s1, $0x2  }
0xba: {  	s3 =	sand.u32 $0x4000, s31;
	s1 =	sadd.s32 s1, s30  }
0xbb: {  	s0 =	sor.u32 s3, s0;
	s1 =	sshll.u32 s1, $0x11  }
0xbc: {  	s0 =	sor.u32 s1, s0  }
0xbd: {  	s0 =	sadd.s32 $0x8F2B, s0  }
0xbe: {  	[sflag:s0] =	ssyncadd.remote.s32 $0x1  }
0xbf: {  	_ =	sfence.sel $0xFFFF  }
0xc0: {  	[dreg:$0x0] =	wrdreg $0xFFFFFFFF;
	(pc) =	sbr.abs _section_cstart, $3  }
0xc1: {  	[dreg:$0x1] =	wrdreg $0xFFFFFFFF  }
0xc2: {  	_ =	task.clear_ibuf [dreg:s8], $0x2FFFF;
	_ =	strace $0x9FFFFFFF  }
0xc3: {  	(tm) =	ssettm $0x7FFFFFFF  }
tec
execute0_lowered:
.L_overlay_start_1:
0x0: {  	(tag) =	ssettag $0x1  }
0x1: {  	s0 =	srdreg.scid  }
0x2: {  	s1 =	stileid.u32;
	s0 =	sand.u32 $0x1, s0  }
0x3: {  	s1 =	sshll.u32 s1, $0x1;
	s2 =	ssub.s32 $0x0, s0  }
0x4: {  	p0 =	sne.s32 s1, s2  }
.Ltmp0:
0x5: {  	_ = 	snop;
	(pc) =	sbr.rel @p0 .LBB2_11-.Ltmp0, $2  }
0x6: {  	_ =	sdelay $0x2  }
0x7: {  	_ =	strace $0x80000047  }
0x8: {  	s0 =	ssub.s32 $0x2, s0  }
0x9: {  	s1 =	sshrl.u32 s0, $0x1  }
0xa: {  	s0 =	ssub.s32 s0, s1  }
0xb: {  	vm0 =	vcmask $0x300;
	s2 =	simm.s32 $0x1;
	s0 =	smax.u32 s0, $0x1  }
0xc: {  	vm1 =	vcmask $0x704;
	vm2 =	vcmask $0xB08;
	vm3 =	vcmask $0xF0C;
	s5 =	simm.s32 $0x0;
	s1 =	simm.s32 $0x0;
	[dreg:$0x3] =	wrdreg s0  }
.LBB2_2:
0xd: {  	s0 =	rddreg [dreg:$0x0]  }
0xe: {  	[tilespmem:s1], [sflag:$0x1] =	stream.linear.gather [hbm4b:s0+s1], $0x4000, $0x38;
	[tilespmem:$0x4080] =	vst v63  }
0xf: {  	s31 =	simm.s32 $0x0;
	_ =	swait.ge [sflag:s2], $0x4000  }
0x10: {  	s30 =	sand.u32 $0x70, s1;
	s1 =	sand.u32 $0x3E00, s31;
	[sflag:s2] =	ssyncset.done $0x0  }
0x11: {  	s1 =	sor.u32 s30, s1;
	[sflag:s2] =	ssyncadd.s32 $0xFFFFC000  }
0x12: {  	v0 =	vimm.s32 $0x0;
	s0 =	simm.s32 $0x10;
	v1 =	vld [tilespmem:s1+$0x0];
	s1 =	simm.s32 $0x0  }
.LBB2_3:
0x13: {  	p0 =	sne.s32 s0, $0xFF0  }
.Ltmp1:
0x14: {  	_ = 	snop;
	(pc) =	sbr.rel @p0 .LBB2_3-.Ltmp1, $4  }
0x15: {  	s1 =	sadd.s32 $0x40, s1  }
0x16: {  	s2 =	sand.u32 $0x70, s0;
	s3 =	sand.u32 $0x3E00, s1  }
0x17: {  	s2 =	sor.u32 s2, s3  }
0x18: {  	s0 =	sadd.s32 $0x10, s0;
	v0 =	vadd.s32 v0, v1;
	v1 =	vld [tilespmem:s2+$0x0]  }
0x19: {  	_ = 	snop  }
0x1a: {  	s0 =	simm.s32 $0x0  }
0x1b: {  	s1 =	sand.u32 $0x70, s0;
	s2 =	sand.u32 $0x3E00, s0  }
0x1c: {  	v6 =	vld [tilespmem:$0x3E70];
	s2 =	sor.u32 s1, s2  }
0x1d: {  	s1 =	simm.s32 $0x10;
	v7 =	vadd.s32 v0, v1;
	v0 =	vimm.s32 $0x0;
	v1 =	vld [tilespmem:s2+$0x80]  }
.LBB2_5:
0x1e: {  	p0 =	sne.s32 s1, $0xFF0  }
.Ltmp2:
0x1f: {  	_ = 	snop;
	(pc) =	sbr.rel @p0 .LBB2_5-.Ltmp2, $4  }
0x20: {  	s0 =	sadd.s32 $0x40, s0  }
0x21: {  	s2 =	sand.u32 $0x70, s1;
	s3 =	sand.u32 $0x3E00, s0  }
0x22: {  	s2 =	sor.u32 s2, s3  }
0x23: {  	s1 =	sadd.s32 $0x10, s1;
	v0 =	vadd.s32 v0, v1;
	v1 =	vld [tilespmem:s2+$0x80]  }
0x24: {  	_ = 	snop  }
0x25: {  	s0 =	simm.s32 $0x0  }
0x26: {  	s1 =	sand.u32 $0x70, s0;
	s2 =	sand.u32 $0x3E00, s0  }
0x27: {  	v4 =	vld [tilespmem:$0x3EF0];
	s2 =	sor.u32 s1, s2  }
0x28: {  	s1 =	simm.s32 $0x10;
	v2 =	vld [tilespmem:s2+$0x100];
	v5 =	vadd.s32 v0, v1;
	v1 =	vimm.s32 $0x0  }
.LBB2_7:
0x29: {  	p0 =	sne.s32 s1, $0xFF0  }
.Ltmp3:
0x2a: {  	_ = 	snop;
	(pc) =	sbr.rel @p0 .LBB2_7-.Ltmp3, $4  }
0x2b: {  	s0 =	sadd.s32 $0x40, s0  }
0x2c: {  	s2 =	sand.u32 $0x70, s1;
	s3 =	sand.u32 $0x3E00, s0  }
0x2d: {  	s2 =	sor.u32 s2, s3  }
0x2e: {  	s1 =	sadd.s32 $0x10, s1;
	v1 =	vadd.s32 v1, v2;
	v2 =	vld [tilespmem:s2+$0x100]  }
0x2f: {  	_ = 	snop  }
0x30: {  	s0 =	simm.s32 $0x0  }
0x31: {  	s1 =	sand.u32 $0x70, s0;
	s2 =	sand.u32 $0x3E00, s0  }
0x32: {  	v0 =	vld [tilespmem:$0x3F70];
	s2 =	sor.u32 s1, s2  }
0x33: {  	s1 =	simm.s32 $0x10;
	v3 =	vld [tilespmem:s2+$0x180];
	v2 =	vadd.s32 v1, v2;
	v1 =	vimm.s32 $0x0  }
.LBB2_9:
0x34: {  	p0 =	sne.s32 s1, $0xFF0  }
.Ltmp4:
0x35: {  	_ = 	snop;
	(pc) =	sbr.rel @p0 .LBB2_9-.Ltmp4, $4  }
0x36: {  	s0 =	sadd.s32 $0x40, s0  }
0x37: {  	s2 =	sand.u32 $0x70, s1;
	s3 =	sand.u32 $0x3E00, s0  }
0x38: {  	s2 =	sor.u32 s2, s3  }
0x39: {  	s1 =	sadd.s32 $0x10, s1;
	v1 =	vadd.s32 v1, v3;
	v3 =	vld [tilespmem:s2+$0x180]  }
0x3a: {  	(v2sf) =	vpush v7, $0x0  }
0x3b: {  	(v2sf) =	vpush v7, $0x1  }
0x3c: {  	(v2sf) =	vpush v7, $0x2  }
0x3d: {  	(v2sf) =	vpush v7, $0x3  }
0x3e: {  	(v2sf) =	vpush v7, $0x4  }
0x3f: {  	(v2sf) =	vpush v7, $0x5  }
0x40: {  	(v2sf) =	vpush v7, $0x6  }
0x41: {  	(v2sf) =	vpush v7, $0x7  }
0x42: {  	(v2sf) =	vpush v7, $0x8  }
0x43: {  	(v2sf) =	vpush v7, $0x9  }
0x44: {  	(v2sf) =	vpush v7, $0xA  }
0x45: {  	(v2sf) =	vpush v7, $0xB  }
0x46: {  	(v2sf) =	vpush v7, $0xC  }
0x47: {  	(v2sf) =	vpush v7, $0xD  }
0x48: {  	(v2sf) =	vpush v7, $0xE  }
0x49: {  	s6 =	spop (v2sf);
	(v2sf) =	vpush v7, $0xF  }
0x4a: {  	s7 =	spop (v2sf);
	(v2sf) =	vpush v6, $0xF  }
0x4b: {  	s10 =	spop (v2sf);
	(v2sf) =	vpush v5, $0x0  }
0x4c: {  	s11 =	spop (v2sf);
	(v2sf) =	vpush v5, $0x1  }
0x4d: {  	s12 =	spop (v2sf);
	(v2sf) =	vpush v5, $0x2  }
0x4e: {  	s0 =	spop (v2sf);
	(v2sf) =	vpush v5, $0x3  }
0x4f: {  	s17 =	spop (v2sf);
	(v2sf) =	vpush v5, $0x4  }
0x50: {  	s18 =	spop (v2sf);
	(v2sf) =	vpush v5, $0x5  }
0x51: {  	s19 =	spop (v2sf);
	(v2sf) =	vpush v5, $0x6  }
0x52: {  	s20 =	spop (v2sf);
	(v2sf) =	vpush v5, $0x7  }
0x53: {  	s9 =	spop (v2sf);
	(v2sf) =	vpush v5, $0x8  }
0x54: {  	s21 =	spop (v2sf);
	(v2sf) =	vpush v5, $0x9  }
0x55: {  	s22 =	spop (v2sf);
	(v2sf) =	vpush v5, $0xA  }
0x56: {  	s23 =	spop (v2sf);
	(v2sf) =	vpush v5, $0xB  }
0x57: {  	s24 =	spop (v2sf);
	(v2sf) =	vpush v5, $0xC  }
0x58: {  	s25 =	spop (v2sf);
	(v2sf) =	vpush v5, $0xD  }
0x59: {  	s4 =	spop (v2sf);
	(v2sf) =	vpush v5, $0xE  }
0x5a: {  	s26 =	spop (v2sf);
	(v2sf) =	vpush v5, $0xF  }
0x5b: {  	s28 =	spop (v2sf);
	(v2sf) =	vpush v4, $0xF  }
0x5c: {  	s29 =	spop (v2sf);
	(v2sf) =	vpush v2, $0x0  }
0x5d: {  	s30 =	spop (v2sf);
	(v2sf) =	vpush v2, $0x1  }
0x5e: {  	s31 =	spop (v2sf);
	(v2sf) =	vpush v2, $0x2  }
0x5f: {  	s1 =	spop (v2sf);
	(v2sf) =	vpush v2, $0x3  }
0x60: {  	[dreg:$0xc] =	wrdreg s0;
	s2 =	spop (v2sf);
	(v2sf) =	vpush v2, $0x4  }
0x61: {  	[dreg:$0xd] =	wrdreg s17;
	s3 =	spop (v2sf);
	(v2sf) =	vpush v2, $0x5  }
0x62: {  	[dreg:$0xe] =	wrdreg s18;
	s8 =	spop (v2sf);
	(v2sf) =	vpush v2, $0x6  }
0x63: {  	[dreg:$0xf] =	wrdreg s19;
	(v2sf) =	vpush v2, $0x7;
	s13 =	spop (v2sf)  }
0x64: {  	[dreg:$0x10] =	wrdreg s20;
	(v2sf) =	vpush v2, $0x8;
	s14 =	spop (v2sf)  }
0x65: {  	[dreg:$0x9] =	wrdreg s21;
	(v2sf) =	vpush v2, $0x9;
	s15 =	spop (v2sf)  }
0x66: {  	[dreg:$0x7] =	wrdreg s22;
	(v2sf) =	vpush v2, $0xA;
	s16 =	spop (v2sf)  }
0x67: {  	[dreg:$0x5] =	wrdreg s23;
	(v2sf) =	vpush v2, $0xB;
	s17 =	spop (v2sf)  }
0x68: {  	[dreg:$0x6] =	wrdreg s24;
	(v2sf) =	vpush v2, $0xC;
	s18 =	spop (v2sf)  }
0x69: {  	[dreg:$0x4] =	wrdreg s25;
	(v2sf) =	vpush v2, $0xD;
	s19 =	spop (v2sf)  }
0x6a: {  	[dreg:$0x1d] =	wrdreg s28;
	(v2sf) =	vpush v2, $0xE;
	s28 =	spop (v2sf)  }
0x6b: {  	[dreg:$0x14] =	wrdreg s8;
	(v2sf) =	vpush v2, $0xF;
	s8 =	spop (v2sf)  }
0x6c: {  	v1 =	vadd.s32 v1, v3;
	[dreg:$0x18] =	wrdreg s26;
	(v2sf) =	vpush v0, $0xF;
	s26 =	spop (v2sf)  }
0x6d: {  	[dreg:$0x1b] =	wrdreg s29;
	(v2sf) =	vpush v1, $0x0;
	s24 =	spop (v2sf)  }
0x6e: {  	[dreg:$0x1c] =	wrdreg s30;
	(v2sf) =	vpush v1, $0x1;
	s25 =	spop (v2sf)  }
0x6f: {  	[dreg:$0x19] =	wrdreg s31;
	(v2sf) =	vpush v1, $0x2;
	s23 =	spop (v2sf)  }
0x70: {  	[dreg:$0x1a] =	wrdreg s1;
	(v2sf) =	vpush v1, $0x3;
	s22 =	spop (v2sf)  }
0x71: {  	[dreg:$0x17] =	wrdreg s2;
	(v2sf) =	vpush v1, $0x4;
	s0 =	spop (v2sf)  }
0x72: {  	[dreg:$0x16] =	wrdreg s3;
	(v2sf) =	vpush v1, $0x5;
	s1 =	spop (v2sf)  }
0x73: {  	[dreg:$0x15] =	wrdreg s13;
	(v2sf) =	vpush v1, $0x6;
	s2 =	spop (v2sf)  }
0x74: {  	[dreg:$0x13] =	wrdreg s14;
	(v2sf) =	vpush v1, $0x7;
	s3 =	spop (v2sf)  }
0x75: {  	[dreg:$0x12] =	wrdreg s15;
	(v2sf) =	vpush v1, $0x8;
	s13 =	spop (v2sf)  }
0x76: {  	s15 =	sadd.s32 s6, s7;
	s7 =	rddreg [dreg:$0xd];
	(v2sf) =	vpush v1, $0x9;
	s20 =	spop (v2sf)  }
0x77: {  	[dreg:$0x11] =	wrdreg s16;
	(v2sf) =	vpush v1, $0xA;
	s21 =	spop (v2sf)  }
0x78: {  	v62 =	vld [tilespmem:$0x3FF0];
	s15 =	sadd.s32 s10, s15;
	s10 =	rddreg [dreg:$0xe];
	(v2sf) =	vpush v1, $0xB;
	s29 =	spop (v2sf)  }
0x79: {  	[dreg:$0xb] =	wrdreg s17;
	s15 =	sadd.s32 s11, s15;
	(v2sf) =	vpush v1, $0xC;
	s30 =	spop (v2sf)  }
0x7a: {  	s15 =	sadd.s32 s12, s15;
	s12 =	rddreg [dreg:$0xc];
	(v2sf) =	vpush v1, $0xD;
	s31 =	spop (v2sf)  }
0x7b: {  	[smem:$0x7FC] =	sst s29;
	(v2sf) =	vpush v1, $0xE;
	s29 =	spop (v2sf)  }
0x7c: {  	[smem:$0x7FD] =	sst s30;
	(v2sf) =	vpush v1, $0xF;
	s30 =	spop (v2sf)  }
0x7d: {  	[dreg:$0x1e] =	wrdreg s31;
	(v2sf) =	vpush v62, $0xF;
	s31 =	spop (v2sf)  }
0x7e: {  	[smem:$0x7FB] =	sst s20;
	s20 =	spop (v2sf)  }
0x7f: {  	[dreg:$0x1f] =	wrdreg s21;
	s21 =	spop (v2sf)  }
0x80: {  	[dreg:$0x8] =	wrdreg s19;
	s19 =	spop (v2sf)  }
0x81: {  	[dreg:$0xa] =	wrdreg s18;
	s15 =	sadd.s32 s12, s15;
	s18 =	spop (v2sf)  }
0x82: {  	s15 =	sadd.s32 s7, s15;
	s7 =	rddreg [dreg:$0xf];
	s16 =	spop (v2sf)  }
0x83: {  	s28 =	sadd.s32 s4, s28;
	s4 =	rddreg [dreg:$0x9];
	s17 =	spop (v2sf)  }
0x84: {  	s15 =	sadd.s32 s10, s15;
	[smem:$0x7FA] =	sst s13;
	s13 =	spop (v2sf)  }
0x85: {  	s15 =	sadd.s32 s7, s15;
	s8 =	sadd.s32 s8, s26;
	s14 =	spop (v2sf)  }
0x86: {  	s7 =	rddreg [dreg:$0x10];
	s8 =	sadd.s32 s24, s8;
	s12 =	spop (v2sf)  }
0x87: {  	s15 =	sadd.s32 s7, s15;
	s8 =	sadd.s32 s25, s8;
	s11 =	spop (v2sf)  }
0x88: {  	s15 =	sadd.s32 s9, s15;
	s8 =	sadd.s32 s23, s8;
	s10 =	spop (v2sf)  }
0x89: {  	s8 =	sadd.s32 s22, s8;
	s22 =	rddreg [dreg:$0x1f];
	s6 =	spop (v2sf)  }
0x8a: {  	s15 =	sadd.s32 s4, s15;
	s25 =	sld [smem:$0x7FD];
	s7 =	spop (v2sf)  }
0x8b: {  	s28 =	sadd.s32 s29, s28;
	s29 =	rddreg [dreg:$0x18];
	s9 =	spop (v2sf)  }
0x8c: {  	s31 =	sadd.s32 s30, s31;
	s30 =	rddreg [dreg:$0x15];
	s4 =	spop (v2sf)  }
0x8d: {  	s28 =	sadd.s32 s4, s28;
	s4 =	rddreg [dreg:$0x7]  }
0x8e: {  	s15 =	sadd.s32 s4, s15;
	s4 =	rddreg [dreg:$0x1d]  }
0x8f: {  	s29 =	sadd.s32 s29, s4;
	s4 =	rddreg [dreg:$0x5]  }
0x90: {  	s15 =	sadd.s32 s4, s15;
	s4 =	rddreg [dreg:$0x1b]  }
0x91: {  	p0 =	seq.s32 s28, $0x4;
	s28 =	sadd.s32 s4, s29;
	s4 =	rddreg [dreg:$0x6]  }
0x92: {  	s29 =	rddreg [dreg:$0x4]  }
0x93: {  	s15 =	sadd.s32 s4, s15;
	s4 =	rddreg [dreg:$0x1c]  }
0x94: {  	s28 =	sadd.s32 s4, s28;
	s4 =	rddreg [dreg:$0x19]  }
0x95: {  	s15 =	sadd.s32 s29, s15;
	s29 =	rddreg [dreg:$0x1a]  }
0x96: {  	s26 =	sadd.s32 s4, s28;
	s4 =	rddreg [dreg:$0x17]  }
0x97: {  	s20 =	sadd.s32 s20, s31;
	s28 =	rddreg [dreg:$0x14]  }
0x98: {  	s20 =	sadd.s32 s21, s20;
	s24 =	sadd.s32 s29, s26;
	s26 =	rddreg [dreg:$0x16]  }
0x99: {  	s29 =	sadd.s32 s19, s20;
	s20 =	sld [smem:$0x7FB]  }
0x9a: {  	s24 =	sadd.s32 s4, s24;
	s4 =	rddreg [dreg:$0x13]  }
0x9b: {  	s0 =	sadd.s32 s0, s8;
	s31 =	sadd.s32 s18, s29;
	s18 =	sld [smem:$0x7FA]  }
0x9c: {  	s0 =	sadd.s32 s1, s0;
	s1 =	sadd.s32 s16, s31;
	s16 =	rddreg [dreg:$0x12]  }
0x9d: {  	s23 =	sadd.s32 s26, s24;
	s24 =	sld [smem:$0x7FC]  }
0x9e: {  	s0 =	sadd.s32 s2, s0;
	s1 =	sadd.s32 s17, s1;
	s17 =	rddreg [dreg:$0x11]  }
0x9f: {  	s26 =	sadd.s32 $0xFFFFFFFF, s15;
	s21 =	sadd.s32 s28, s23;
	s23 =	rddreg [dreg:$0x8]  }
0xa0: {  	s0 =	sadd.s32 s3, s0;
	s28 =	rddreg [dreg:$0x1e];
	s3 =	sand.u32 $0xFFF, s26  }
0xa1: {  	s19 =	sadd.s32 s30, s21;
	s0 =	sadd.s32 s18, s0;
	s1 =	sadd.s32 s13, s1  }
0xa2: {  	s21 =	rddreg [dreg:$0xa];
	s3 =	simm.s32 @p0 $0xFFF;
	s8 =	sadd.s32 s4, s19  }
0xa3: {  	s19 =	rddreg [dreg:$0xb];
	s1 =	sadd.s32 s14, s1;
	s2 =	sadd.s32 s16, s8  }
0xa4: {  	s0 =	sadd.s32 s20, s0;
	s1 =	sadd.s32 s12, s1;
	s2 =	sadd.s32 s17, s2  }
0xa5: {  	s0 =	sadd.s32 s22, s0;
	s1 =	sadd.s32 s11, s1;
	s2 =	sadd.s32 s19, s2  }
0xa6: {  	s0 =	sadd.s32 s24, s0;
	s1 =	sadd.s32 s10, s1;
	s2 =	sadd.s32 s21, s2  }
0xa7: {  	s0 =	sadd.s32 s25, s0;
	s1 =	sadd.s32 s6, s1;
	s2 =	sadd.s32 s23, s2  }
0xa8: {  	s0 =	sadd.s32 s28, s0;
	s1 =	sadd.s32 s7, s1;
	s2 =	sadd.s32 $0xFFFFFFFF, s2  }
0xa9: {  	v63 =	vmov s3;
	s0 =	sadd.s32 $0xFFFFFFFF, s0;
	s1 =	sadd.s32 s9, s1;
	s2 =	sand.u32 $0xFFF, s2  }
0xaa: {  	v0 =	vnsel vm0, $0x0, v63;
	s0 =	sand.u32 $0xFFF, s0;
	s1 =	sadd.s32 $0xFFFFFFFF, s1;
	s2 =	simm.s32 @p0 $0xFFF  }
0xab: {  	s0 =	simm.s32 @p0 $0xFFF;
	s1 =	sand.u32 $0xFFF, s1;
	v0 =	vsel vm1, s2, v0  }
0xac: {  	s1 =	simm.s32 @p0 $0xFFF;
	v0 =	vsel vm2, s0, v0  }
0xad: {  	s29 =	rddreg [dreg:$0x1];
	v0 =	vsel vm3, s1, v0  }
0xae: {  	s30 =	simm.s32 $0x4000;
	s2 =	simm.s32 $0x1;
	s1 =	simm.s32 $0x0;
	[tilespmem:$0x4000] =	vst v0  }
0xaf: {  	[hbm4b:s29+s1] =	stream.linear.scatter [tilespmem:s30], [sflag:$0x1], $0x80, $0x38;
	[tilespmem:$0x4080] =	vst v63  }
0xb0: {  	_ =	swait.ge [sflag:s2], $0x80  }
0xb1: {  	s5 =	sadd.s32 $0x1, s5;
	s31 =	rddreg [dreg:$0x3]  }
0xb2: {  	p0 =	sne.s32 s5, s31  }
.Ltmp5:
0xb3: {  	_ = 	snop;
	(pc) =	sbr.rel @p0 .LBB2_2-.Ltmp5, $3  }
0xb4: {  	_ =	sdelay $0x1  }
0xb5: {  	[sflag:s2] =	ssyncset.done $0x0  }
0xb6: {  	[sflag:s2] =	ssyncadd.s32 $0xFFFFFF80  }
.LBB2_11:
0xb7: {  	_ =	sfence.sel $0x180000  }
0xb8: {  	[bflag:$0x0] =	sbarrier.arrive $0xFFFF  }
0xb9: {  	_ =	strace $0x90000047  }
0xba: {  	s0 =	stileid.u32;
	[bflag:$0x2] =	sbarrier.arrive $0xFFFF  }
0xbb: {  	p0 =	sne.s32 s0, $0x0;
	s0 =	rddreg [dreg:$0x2]  }
0xbc: {  	s0 =	sadd.s32 @!p0 $0x100000, s0  }
0xbd: {  	[sflag:s0] =	ssyncadd.tile.s32 @!p0 $0x1;
	_ =	shalt  }
.Lfunc_end2:
_tile_overlayer_lowered:
.L_overlay_start_2:
0xbe: {  	(tag) =	ssettag $0x2  }
0xbf: {  	s0 =	rddreg [dreg:$0x0];
	s2 =	stileid.u32  }
0xc0: {  	s1 =	rddreg [dreg:$0x1];
	p0 =	sne.s32 s2, $0x0  }
0xc1: {  	s3 =	rddreg [dreg:$0x2];
	[bflag:$0x3] =	sbarrier.arrive $0xFFFF;
	s2 =	simm.s32 @!p0 $0x1C01  }
0xc2: {  	[timem:s3], [sflag:s2] =	dma.local @!p0 [hbm:s0], s1  }
0xc3: {  	s0 =	simm.s32 @!p0 $0x1  }
0xc4: {  	_ =	swait.ge @!p0 [sflag:s0], s1  }
0xc5: {  	s1 =	ssub.s32 @!p0 $0x0, s1;
	[sflag:s0] =	ssyncset.done @!p0 $0x0  }
0xc6: {  	[sflag:s0] =	ssyncadd.s32 @!p0 s1  }
0xc7: {  	[bflag:$0x3] =	sbarrier.arrive $0xFFFF  }
0xc8: {  	_ =	shalt  }

</sc_bundles>
